<compile_context>
chip_gen: v7x
topology: tpu7x:2x2x1
jax: 0.10.2.dev20260603
libtpu: 0.0.44.dev20260713+nightly
codegen_flags: <defaults>
</compile_context>

<pallas_src>
import functools

import jax
import jax.numpy as jnp
import numpy as np
from jax import lax
from jax.experimental import pallas as pl
from jax.experimental.pallas import tpu as pltpu
from jax.experimental.pallas import tpu_sc as plsc

_MAX_FRAMES = 12
_TOPK = 64
_N_TOKENS = 197
_D = 512
_B = 16
_OUT_TOK = _TOPK + 1
_OUT_L = _MAX_FRAMES * _OUT_TOK
_L = _MAX_FRAMES * _N_TOKENS
_NW = 32
_NCHUNK = 4
_CW = 7
_C_OFF = (0, 7, 13, 19)
_C_LEN = (7, 6, 6, 6)
_SPAN = 25
_MAX_BASE = _OUT_L - _SPAN

_SEL = np.array([
    2, 3, 4, 5, 7, 16, 19, 29, 30, 31, 34, 35, 37, 39, 42, 44, 45, 56,
    58, 61, 63, 65, 67, 70, 72, 78, 82, 83, 85, 90, 99, 101, 102, 108,
    110, 111, 112, 114, 117, 121, 123, 129, 130, 139, 142, 144, 148, 152,
    153, 155, 156, 157, 163, 167, 174, 175, 176, 177, 178, 179, 183, 186,
    188, 189], dtype=np.int32)
_FRAME_ROWS = np.concatenate([[0], 1 + _SEL]).astype(np.int32)

_ROW_MAP = ((np.arange(_OUT_L) // _OUT_TOK) * _N_TOKENS
            + _FRAME_ROWS[np.arange(_OUT_L) % _OUT_TOK]).astype(np.int32)


def _build_index_table() -> np.ndarray:
    tbl = np.zeros((_NW, 8, 128), np.int32)
    for w in range(_NW):
        base = min(w * _OUT_L // _NW, _MAX_BASE)
        for c in range(_NCHUNK):
            s = base + _C_OFF[c]
            n = _C_LEN[c]
            tbl[w, c, :n] = _ROW_MAP[s:s + n]
    return tbl


_IDX_TBL = _build_index_table()


@functools.partial(
    pl.kernel,
    out_type=jax.ShapeDtypeStruct((_OUT_L, _B, _D), jnp.float32),
    mesh=plsc.VectorSubcoreMesh(core_axis_name="c", subcore_axis_name="s"),
    compiler_params=pltpu.CompilerParams(use_tc_tiling_on_sc=True),
    scratch_types=[
        pltpu.VMEM((8, 128), jnp.int32),
        pltpu.VMEM((_CW, _B, _D), jnp.float32),
        pltpu.VMEM((_CW, _B, _D), jnp.float32),
        pltpu.SemaphoreType.DMA,
        pltpu.SemaphoreType.DMA,
        pltpu.SemaphoreType.DMA,
        pltpu.SemaphoreType.DMA,
    ],
)
def _gather_tokens(x_hbm, idx_hbm, out_hbm, idx_v,
                   buf0, buf1, gs0, gs1, ws0, ws1):
    wid = lax.axis_index("s") * 2 + lax.axis_index("c")
    pltpu.sync_copy(idx_hbm.at[wid], idx_v)
    bufs = (buf0, buf1)
    gsems = (gs0, gs1)
    wsems = (ws0, ws1)

    base = lax.min(wid * _OUT_L // _NW, _MAX_BASE)

    def start_gather(c):
        return pltpu.async_copy(x_hbm.at[idx_v.at[c, pl.ds(0, _C_LEN[c])]],
                                bufs[c % 2].at[pl.ds(0, _C_LEN[c])],
                                gsems[c % 2])

    def start_store(c):
        return pltpu.async_copy(bufs[c % 2].at[pl.ds(0, _C_LEN[c])],
                                out_hbm.at[pl.ds(base + _C_OFF[c], _C_LEN[c])],
                                wsems[c % 2])

    gathers = [start_gather(0), start_gather(1)]
    writes = [None] * _NCHUNK
    for c in range(_NCHUNK):
        gathers[c % 2].wait()
        writes[c] = start_store(c)
        if c + 2 < _NCHUNK:
            writes[c].wait()
            gathers[c % 2] = start_gather(c + 2)
    writes[_NCHUNK - 2].wait()
    writes[_NCHUNK - 1].wait()


def kernel(x):
    xt = jnp.transpose(x, (1, 0, 2))
    out_t = _gather_tokens(xt, jnp.asarray(_IDX_TBL))
    return jnp.transpose(out_t, (1, 0, 2))

# --- scband reference (transcript-rebuilt; emitter-appended) ---
"""Pipeline reference for scband-visual-token-random-selection-6150393168248 (READ-ONLY COPY).

The authoritative reference and input builder live on the scoring server;
editing this copy changes nothing except your own understanding.
"""

import jax, jax.numpy as jnp
import numpy as np

MAX_FRAMES = 12
TOPK = 64

def setup_inputs(seed: int = 0) -> dict:
    key = jax.random.key(seed)
    # VISION pool: HW=224, patch=16 -> 196 patches + 1 cls = 197 tokens/frame
    # B=16, L = max_frames * 197 = 2364, D = embed_dim = 512
    x = jax.random.normal(key, (16, 2364, 512), dtype=jnp.float32)
    return {"x": x}

def reference(x):
    B, L, D = x.shape
    N = L // MAX_FRAMES
    x = x.reshape(B, -1, N, D)
    x = x.reshape(-1, N, D)
    cls_x_feature = x[:, :1, :]
    spatial_x_feature = x[:, 1:, :]
    patch_len = spatial_x_feature.shape[1]
    # torch.randperm(patch_len)[:topk].sort()[0] -> fixed-seed permutation for determinism
    perm = jax.random.permutation(jax.random.key(42), patch_len)
    selected_indices = jnp.sort(perm[:TOPK])
    selected_patch_feature = jnp.take(spatial_x_feature, selected_indices, axis=1)
    output = jnp.concatenate((cls_x_feature, selected_patch_feature), axis=1)
    output = output.reshape(B, MAX_FRAMES, -1, D).reshape(B, -1, D)
    return output

if __name__ == "__main__":
    import jax
    _d = setup_inputs()
    print(jax.jit(kernel)(*tuple(_d.values())))

</pallas_src>

<mosaic_0001>
#map = affine_map<(d0, d1) -> (0, 0, 0)>
module attributes {stable_mosaic.version = 14 : i64} {
  func.func @_gather_tokens(%arg0: i32, %arg1: i32, %arg2: memref<2364x16x512xf32, #tpu.memory_space<hbm>>, %arg3: memref<32x8x128xi32, #tpu.memory_space<hbm>>, %arg4: memref<780x16x512xf32, #tpu.memory_space<hbm>>, %arg5: memref<8x128xi32, #tpu.memory_space<vmem>>, %arg6: memref<7x16x512xf32, #tpu.memory_space<vmem>>, %arg7: memref<7x16x512xf32, #tpu.memory_space<vmem>>, %arg8: memref<!tpu.dma_semaphore, #tpu.memory_space<semaphore_mem>>, %arg9: memref<!tpu.dma_semaphore, #tpu.memory_space<semaphore_mem>>, %arg10: memref<!tpu.dma_semaphore, #tpu.memory_space<semaphore_mem>>, %arg11: memref<!tpu.dma_semaphore, #tpu.memory_space<semaphore_mem>>) attributes {dimension_semantics = [#tpu.dimension_semantics<core_parallel>, #tpu.dimension_semantics<subcore_parallel>], iteration_bounds = array<i64: 2, 16>, scalar_prefetch = 0 : i64, scratch_operands = 7 : i64, tpu.core_type = #tpu.core_type<sc_vector_subcore>, window_params = [{transform_indices = #map}, {transform_indices = #map}, {transform_indices = #map}]} {
    %mul3A = arith.constant 2 : i32
    %mul3A_0 = arith.muli %arg1, %mul3A : i32
    %add3A = arith.addi %mul3A_0, %arg0 : i32
    "tpu.region"() ({
      %run_scoped3A = tpu.sem_alloc : memref<!tpu.dma_semaphore, #tpu.memory_space<semaphore_mem>>
      %dma_start3A_234 = arith.constant 0 : i32
      %dma_start3A_235 = arith.constant 0 : i32
      %dma_start3A_236 = tpu.memref_slice %arg3[%add3A, %dma_start3A_234, %dma_start3A_235] : memref<32x8x128xi32, #tpu.memory_space<hbm>> -> memref<1x8x128xi32, #tpu.memory_space<hbm>>
      %dma_start3A_237 = tpu.memref_squeeze %dma_start3A_236 : memref<1x8x128xi32, #tpu.memory_space<hbm>> -> memref<8x128xi32, #tpu.memory_space<hbm>>
      %dma_start3A_238 = arith.constant 0 : i32
      %dma_start3A_239 = arith.constant 0 : i32
      %dma_start3A_240 = tpu.memref_slice %arg3[%add3A, %dma_start3A_238, %dma_start3A_239] : memref<32x8x128xi32, #tpu.memory_space<hbm>> -> memref<1x8x128xi32, #tpu.memory_space<hbm>>
      %dma_start3A_241 = tpu.memref_squeeze %dma_start3A_240 : memref<1x8x128xi32, #tpu.memory_space<hbm>> -> memref<8x128xi32, #tpu.memory_space<hbm>>
      tpu.enqueue_dma source(%dma_start3A_241 : memref<8x128xi32, #tpu.memory_space<hbm>>) target(%arg5 : memref<8x128xi32, #tpu.memory_space<vmem>>) target_semaphore(%run_scoped3A : memref<!tpu.dma_semaphore, #tpu.memory_space<semaphore_mem>>)
      %dma_wait3A_242 = arith.constant 0 : i32
      %dma_wait3A_243 = arith.constant 0 : i32
      %dma_wait3A_244 = tpu.memref_slice %arg3[%add3A, %dma_wait3A_242, %dma_wait3A_243] : memref<32x8x128xi32, #tpu.memory_space<hbm>> -> memref<1x8x128xi32, #tpu.memory_space<hbm>>
      %dma_wait3A_245 = tpu.memref_squeeze %dma_wait3A_244 : memref<1x8x128xi32, #tpu.memory_space<hbm>> -> memref<8x128xi32, #tpu.memory_space<hbm>>
      %dma_wait3A_246 = arith.constant 0 : i32
      %dma_wait3A_247 = arith.constant 0 : i32
      %dma_wait3A_248 = tpu.memref_slice %arg3[%add3A, %dma_wait3A_246, %dma_wait3A_247] : memref<32x8x128xi32, #tpu.memory_space<hbm>> -> memref<1x8x128xi32, #tpu.memory_space<hbm>>
      %dma_wait3A_249 = tpu.memref_squeeze %dma_wait3A_248 : memref<1x8x128xi32, #tpu.memory_space<hbm>> -> memref<8x128xi32, #tpu.memory_space<hbm>>
      tpu.wait_dma2 semaphore(%run_scoped3A : memref<!tpu.dma_semaphore, #tpu.memory_space<semaphore_mem>>) src(%dma_wait3A_249 : memref<8x128xi32, #tpu.memory_space<hbm>>) dst(%arg5 : memref<8x128xi32, #tpu.memory_space<vmem>>)
      tpu.yield
    }) : () -> ()
    %mul3A_1 = arith.constant 780 : i32
    %mul3A_2 = arith.muli %add3A, %mul3A_1 : i32
    %jit3A = arith.constant 32 : i32
    %div3A = arith.divsi %mul3A_2, %jit3A : i32
    %sign3A = arith.constant 0 : i32
    %sign3A_3 = arith.cmpi sgt, %mul3A_2, %sign3A : i32
    %sign3A_4 = arith.extui %sign3A_3 : i1 to i32
    %sign3A_5 = arith.constant 0 : i32
    %sign3A_6 = arith.cmpi slt, %mul3A_2, %sign3A_5 : i32
    %sign3A_7 = arith.extui %sign3A_6 : i1 to i32
    %sign3A_8 = arith.subi %sign3A_4, %sign3A_7 : i32
    %sign3A_9 = arith.constant 0 : i32
    %sign3A_10 = arith.cmpi sgt, %jit3A, %sign3A_9 : i32
    %sign3A_11 = arith.extui %sign3A_10 : i1 to i32
    %sign3A_12 = arith.constant 0 : i32
    %sign3A_13 = arith.cmpi slt, %jit3A, %sign3A_12 : i32
    %sign3A_14 = arith.extui %sign3A_13 : i1 to i32
    %sign3A_15 = arith.subi %sign3A_11, %sign3A_14 : i32
    %ne3A = arith.cmpi ne, %sign3A_8, %sign3A_15 : i32
    %rem3A = arith.remsi %mul3A_2, %jit3A : i32
    %ne3A_16 = arith.constant 0 : i32
    %ne3A_17 = arith.cmpi ne, %rem3A, %ne3A_16 : i32
    %and3A = arith.andi %ne3A, %ne3A_17 : i1
    %sub3A = arith.constant 1 : i32
    %sub3A_18 = arith.subi %div3A, %sub3A : i32
    %select_n3A = arith.select %and3A, %sub3A_18, %div3A : i32
    %min3A = arith.constant 755 : i32
    %min3A_19 = arith.minsi %select_n3A, %min3A : i32
    %dma_start3A = arith.constant 0 : i32
    %dma_start3A_20 = arith.constant 0 : i32
    %dma_start3A_21 = arith.constant 0 : i32
    %dma_start3A_22 = arith.constant 0 : i32
    %dma_start3A_23 = tpu.memref_slice %arg6[%dma_start3A_20, %dma_start3A_21, %dma_start3A_22] : memref<7x16x512xf32, #tpu.memory_space<vmem>> -> memref<7x16x512xf32, #tpu.memory_space<vmem>>
    %dma_start3A_24 = arith.constant 0 : i32
    %dma_start3A_25 = tpu.memref_slice %arg5[%dma_start3A, %dma_start3A_24] : memref<8x128xi32, #tpu.memory_space<vmem>> -> memref<1x7xi32, #tpu.memory_space<vmem>>
    %dma_start3A_26 = tpu.memref_squeeze %dma_start3A_25 : memref<1x7xi32, #tpu.memory_space<vmem>> -> memref<7xi32, #tpu.memory_space<vmem>>
    %dma_start3A_27 = arith.constant 0 : i32
    %dma_start3A_28 = arith.constant 0 : i32
    %dma_start3A_29 = arith.constant 0 : i32
    %dma_start3A_30 = tpu.memref_slice %arg2[%dma_start3A_27, %dma_start3A_28, %dma_start3A_29] : memref<2364x16x512xf32, #tpu.memory_space<hbm>> -> memref<2364x16x512xf32, #tpu.memory_space<hbm>>
    tpu.enqueue_indirect_dma source(%dma_start3A_30 : memref<2364x16x512xf32, #tpu.memory_space<hbm>>) target(%dma_start3A_23 : memref<7x16x512xf32, #tpu.memory_space<vmem>>) offsets(%dma_start3A_26 : memref<7xi32, #tpu.memory_space<vmem>>) semaphore(%arg8 : memref<!tpu.dma_semaphore, #tpu.memory_space<semaphore_mem>>)
    %dma_start3A_31 = arith.constant 1 : i32
    %dma_start3A_32 = arith.constant 0 : i32
    %dma_start3A_33 = arith.constant 0 : i32
    %dma_start3A_34 = arith.constant 0 : i32
    %dma_start3A_35 = tpu.memref_slice %arg7[%dma_start3A_32, %dma_start3A_33, %dma_start3A_34] : memref<7x16x512xf32, #tpu.memory_space<vmem>> -> memref<6x16x512xf32, #tpu.memory_space<vmem>>
    %dma_start3A_36 = arith.constant 0 : i32
    %dma_start3A_37 = tpu.memref_slice %arg5[%dma_start3A_31, %dma_start3A_36] : memref<8x128xi32, #tpu.memory_space<vmem>> -> memref<1x6xi32, #tpu.memory_space<vmem>>
    %dma_start3A_38 = tpu.memref_squeeze %dma_start3A_37 : memref<1x6xi32, #tpu.memory_space<vmem>> -> memref<6xi32, #tpu.memory_space<vmem>>
    %dma_start3A_39 = arith.constant 0 : i32
    %dma_start3A_40 = arith.constant 0 : i32
    %dma_start3A_41 = arith.constant 0 : i32
    %dma_start3A_42 = tpu.memref_slice %arg2[%dma_start3A_39, %dma_start3A_40, %dma_start3A_41] : memref<2364x16x512xf32, #tpu.memory_space<hbm>> -> memref<2364x16x512xf32, #tpu.memory_space<hbm>>
    tpu.enqueue_indirect_dma source(%dma_start3A_42 : memref<2364x16x512xf32, #tpu.memory_space<hbm>>) target(%dma_start3A_35 : memref<6x16x512xf32, #tpu.memory_space<vmem>>) offsets(%dma_start3A_38 : memref<6xi32, #tpu.memory_space<vmem>>) semaphore(%arg9 : memref<!tpu.dma_semaphore, #tpu.memory_space<semaphore_mem>>)
    %dma_wait3A = arith.constant 0 : i32
    %dma_wait3A_43 = arith.constant 0 : i32
    %dma_wait3A_44 = arith.constant 0 : i32
    %dma_wait3A_45 = arith.constant 0 : i32
    %dma_wait3A_46 = tpu.memref_slice %arg6[%dma_wait3A_43, %dma_wait3A_44, %dma_wait3A_45] : memref<7x16x512xf32, #tpu.memory_space<vmem>> -> memref<7x16x512xf32, #tpu.memory_space<vmem>>
    %dma_wait3A_47 = arith.constant 0 : i32
    %dma_wait3A_48 = tpu.memref_slice %arg5[%dma_wait3A, %dma_wait3A_47] : memref<8x128xi32, #tpu.memory_space<vmem>> -> memref<1x7xi32, #tpu.memory_space<vmem>>
    %dma_wait3A_49 = tpu.memref_squeeze %dma_wait3A_48 : memref<1x7xi32, #tpu.memory_space<vmem>> -> memref<7xi32, #tpu.memory_space<vmem>>
    %dma_wait3A_50 = arith.constant 0 : i32
    %dma_wait3A_51 = arith.constant 0 : i32
    %dma_wait3A_52 = arith.constant 0 : i32
    %dma_wait3A_53 = tpu.memref_slice %arg2[%dma_wait3A_50, %dma_wait3A_51, %dma_wait3A_52] : memref<2364x16x512xf32, #tpu.memory_space<hbm>> -> memref<2364x16x512xf32, #tpu.memory_space<hbm>>
    tpu.wait_indirect_dma semaphore(%arg8 : memref<!tpu.dma_semaphore, #tpu.memory_space<semaphore_mem>>) src(%dma_wait3A_53 : memref<2364x16x512xf32, #tpu.memory_space<hbm>>) dst(%dma_wait3A_46 : memref<7x16x512xf32, #tpu.memory_space<vmem>>)
    %add3A_54 = arith.constant 0 : i32
    %add3A_55 = arith.addi %min3A_19, %add3A_54 : i32
    %dma_start3A_56 = arith.constant 0 : i32
    %dma_start3A_57 = arith.constant 0 : i32
    %dma_start3A_58 = arith.constant 0 : i32
    %dma_start3A_59 = tpu.memref_slice %arg6[%dma_start3A_56, %dma_start3A_57, %dma_start3A_58] : memref<7x16x512xf32, #tpu.memory_space<vmem>> -> memref<7x16x512xf32, #tpu.memory_space<vmem>>
    %dma_start3A_60 = arith.constant 0 : i32
    %dma_start3A_61 = arith.constant 0 : i32
    %dma_start3A_62 = tpu.memref_slice %arg4[%add3A_55, %dma_start3A_60, %dma_start3A_61] : memref<780x16x512xf32, #tpu.memory_space<hbm>> -> memref<7x16x512xf32, #tpu.memory_space<hbm>>
    %dma_start3A_63 = arith.constant 0 : i32
    %dma_start3A_64 = arith.constant 0 : i32
    %dma_start3A_65 = tpu.memref_slice %arg4[%add3A_55, %dma_start3A_63, %dma_start3A_64] : memref<780x16x512xf32, #tpu.memory_space<hbm>> -> memref<7x16x512xf32, #tpu.memory_space<hbm>>
    %dma_start3A_66 = arith.constant 0 : i32
    %dma_start3A_67 = arith.constant 0 : i32
    %dma_start3A_68 = arith.constant 0 : i32
    %dma_start3A_69 = tpu.memref_slice %arg6[%dma_start3A_66, %dma_start3A_67, %dma_start3A_68] : memref<7x16x512xf32, #tpu.memory_space<vmem>> -> memref<7x16x512xf32, #tpu.memory_space<vmem>>
    tpu.enqueue_dma source(%dma_start3A_69 : memref<7x16x512xf32, #tpu.memory_space<vmem>>) target(%dma_start3A_65 : memref<7x16x512xf32, #tpu.memory_space<hbm>>) target_semaphore(%arg10 : memref<!tpu.dma_semaphore, #tpu.memory_space<semaphore_mem>>)
    %dma_wait3A_70 = arith.constant 0 : i32
    %dma_wait3A_71 = arith.constant 0 : i32
    %dma_wait3A_72 = arith.constant 0 : i32
    %dma_wait3A_73 = tpu.memref_slice %arg6[%dma_wait3A_70, %dma_wait3A_71, %dma_wait3A_72] : memref<7x16x512xf32, #tpu.memory_space<vmem>> -> memref<7x16x512xf32, #tpu.memory_space<vmem>>
    %dma_wait3A_74 = arith.constant 0 : i32
    %dma_wait3A_75 = arith.constant 0 : i32
    %dma_wait3A_76 = tpu.memref_slice %arg4[%add3A_55, %dma_wait3A_74, %dma_wait3A_75] : memref<780x16x512xf32, #tpu.memory_space<hbm>> -> memref<7x16x512xf32, #tpu.memory_space<hbm>>
    %dma_wait3A_77 = arith.constant 0 : i32
    %dma_wait3A_78 = arith.constant 0 : i32
    %dma_wait3A_79 = tpu.memref_slice %arg4[%add3A_55, %dma_wait3A_77, %dma_wait3A_78] : memref<780x16x512xf32, #tpu.memory_space<hbm>> -> memref<7x16x512xf32, #tpu.memory_space<hbm>>
    %dma_wait3A_80 = arith.constant 0 : i32
    %dma_wait3A_81 = arith.constant 0 : i32
    %dma_wait3A_82 = arith.constant 0 : i32
    %dma_wait3A_83 = tpu.memref_slice %arg6[%dma_wait3A_80, %dma_wait3A_81, %dma_wait3A_82] : memref<7x16x512xf32, #tpu.memory_space<vmem>> -> memref<7x16x512xf32, #tpu.memory_space<vmem>>
    tpu.wait_dma2 semaphore(%arg10 : memref<!tpu.dma_semaphore, #tpu.memory_space<semaphore_mem>>) src(%dma_wait3A_83 : memref<7x16x512xf32, #tpu.memory_space<vmem>>) dst(%dma_wait3A_79 : memref<7x16x512xf32, #tpu.memory_space<hbm>>)
    %dma_start3A_84 = arith.constant 2 : i32
    %dma_start3A_85 = arith.constant 0 : i32
    %dma_start3A_86 = arith.constant 0 : i32
    %dma_start3A_87 = arith.constant 0 : i32
    %dma_start3A_88 = tpu.memref_slice %arg6[%dma_start3A_85, %dma_start3A_86, %dma_start3A_87] : memref<7x16x512xf32, #tpu.memory_space<vmem>> -> memref<6x16x512xf32, #tpu.memory_space<vmem>>
    %dma_start3A_89 = arith.constant 0 : i32
    %dma_start3A_90 = tpu.memref_slice %arg5[%dma_start3A_84, %dma_start3A_89] : memref<8x128xi32, #tpu.memory_space<vmem>> -> memref<1x6xi32, #tpu.memory_space<vmem>>
    %dma_start3A_91 = tpu.memref_squeeze %dma_start3A_90 : memref<1x6xi32, #tpu.memory_space<vmem>> -> memref<6xi32, #tpu.memory_space<vmem>>
    %dma_start3A_92 = arith.constant 0 : i32
    %dma_start3A_93 = arith.constant 0 : i32
    %dma_start3A_94 = arith.constant 0 : i32
    %dma_start3A_95 = tpu.memref_slice %arg2[%dma_start3A_92, %dma_start3A_93, %dma_start3A_94] : memref<2364x16x512xf32, #tpu.memory_space<hbm>> -> memref<2364x16x512xf32, #tpu.memory_space<hbm>>
    tpu.enqueue_indirect_dma source(%dma_start3A_95 : memref<2364x16x512xf32, #tpu.memory_space<hbm>>) target(%dma_start3A_88 : memref<6x16x512xf32, #tpu.memory_space<vmem>>) offsets(%dma_start3A_91 : memref<6xi32, #tpu.memory_space<vmem>>) semaphore(%arg8 : memref<!tpu.dma_semaphore, #tpu.memory_space<semaphore_mem>>)
    %dma_wait3A_96 = arith.constant 1 : i32
    %dma_wait3A_97 = arith.constant 0 : i32
    %dma_wait3A_98 = arith.constant 0 : i32
    %dma_wait3A_99 = arith.constant 0 : i32
    %dma_wait3A_100 = tpu.memref_slice %arg7[%dma_wait3A_97, %dma_wait3A_98, %dma_wait3A_99] : memref<7x16x512xf32, #tpu.memory_space<vmem>> -> memref<6x16x512xf32, #tpu.memory_space<vmem>>
    %dma_wait3A_101 = arith.constant 0 : i32
    %dma_wait3A_102 = tpu.memref_slice %arg5[%dma_wait3A_96, %dma_wait3A_101] : memref<8x128xi32, #tpu.memory_space<vmem>> -> memref<1x6xi32, #tpu.memory_space<vmem>>
    %dma_wait3A_103 = tpu.memref_squeeze %dma_wait3A_102 : memref<1x6xi32, #tpu.memory_space<vmem>> -> memref<6xi32, #tpu.memory_space<vmem>>
    %dma_wait3A_104 = arith.constant 0 : i32
    %dma_wait3A_105 = arith.constant 0 : i32
    %dma_wait3A_106 = arith.constant 0 : i32
    %dma_wait3A_107 = tpu.memref_slice %arg2[%dma_wait3A_104, %dma_wait3A_105, %dma_wait3A_106] : memref<2364x16x512xf32, #tpu.memory_space<hbm>> -> memref<2364x16x512xf32, #tpu.memory_space<hbm>>
    tpu.wait_indirect_dma semaphore(%arg9 : memref<!tpu.dma_semaphore, #tpu.memory_space<semaphore_mem>>) src(%dma_wait3A_107 : memref<2364x16x512xf32, #tpu.memory_space<hbm>>) dst(%dma_wait3A_100 : memref<6x16x512xf32, #tpu.memory_space<vmem>>)
    %add3A_108 = arith.constant 7 : i32
    %add3A_109 = arith.addi %min3A_19, %add3A_108 : i32
    %dma_start3A_110 = arith.constant 0 : i32
    %dma_start3A_111 = arith.constant 0 : i32
    %dma_start3A_112 = arith.constant 0 : i32
    %dma_start3A_113 = tpu.memref_slice %arg7[%dma_start3A_110, %dma_start3A_111, %dma_start3A_112] : memref<7x16x512xf32, #tpu.memory_space<vmem>> -> memref<6x16x512xf32, #tpu.memory_space<vmem>>
    %dma_start3A_114 = arith.constant 0 : i32
    %dma_start3A_115 = arith.constant 0 : i32
    %dma_start3A_116 = tpu.memref_slice %arg4[%add3A_109, %dma_start3A_114, %dma_start3A_115] : memref<780x16x512xf32, #tpu.memory_space<hbm>> -> memref<6x16x512xf32, #tpu.memory_space<hbm>>
    %dma_start3A_117 = arith.constant 0 : i32
    %dma_start3A_118 = arith.constant 0 : i32
    %dma_start3A_119 = tpu.memref_slice %arg4[%add3A_109, %dma_start3A_117, %dma_start3A_118] : memref<780x16x512xf32, #tpu.memory_space<hbm>> -> memref<6x16x512xf32, #tpu.memory_space<hbm>>
    %dma_start3A_120 = arith.constant 0 : i32
    %dma_start3A_121 = arith.constant 0 : i32
    %dma_start3A_122 = arith.constant 0 : i32
    %dma_start3A_123 = tpu.memref_slice %arg7[%dma_start3A_120, %dma_start3A_121, %dma_start3A_122] : memref<7x16x512xf32, #tpu.memory_space<vmem>> -> memref<6x16x512xf32, #tpu.memory_space<vmem>>
    tpu.enqueue_dma source(%dma_start3A_123 : memref<6x16x512xf32, #tpu.memory_space<vmem>>) target(%dma_start3A_119 : memref<6x16x512xf32, #tpu.memory_space<hbm>>) target_semaphore(%arg11 : memref<!tpu.dma_semaphore, #tpu.memory_space<semaphore_mem>>)
    %dma_wait3A_124 = arith.constant 0 : i32
    %dma_wait3A_125 = arith.constant 0 : i32
    %dma_wait3A_126 = arith.constant 0 : i32
    %dma_wait3A_127 = tpu.memref_slice %arg7[%dma_wait3A_124, %dma_wait3A_125, %dma_wait3A_126] : memref<7x16x512xf32, #tpu.memory_space<vmem>> -> memref<6x16x512xf32, #tpu.memory_space<vmem>>
    %dma_wait3A_128 = arith.constant 0 : i32
    %dma_wait3A_129 = arith.constant 0 : i32
    %dma_wait3A_130 = tpu.memref_slice %arg4[%add3A_109, %dma_wait3A_128, %dma_wait3A_129] : memref<780x16x512xf32, #tpu.memory_space<hbm>> -> memref<6x16x512xf32, #tpu.memory_space<hbm>>
    %dma_wait3A_131 = arith.constant 0 : i32
    %dma_wait3A_132 = arith.constant 0 : i32
    %dma_wait3A_133 = tpu.memref_slice %arg4[%add3A_109, %dma_wait3A_131, %dma_wait3A_132] : memref<780x16x512xf32, #tpu.memory_space<hbm>> -> memref<6x16x512xf32, #tpu.memory_space<hbm>>
    %dma_wait3A_134 = arith.constant 0 : i32
    %dma_wait3A_135 = arith.constant 0 : i32
    %dma_wait3A_136 = arith.constant 0 : i32
    %dma_wait3A_137 = tpu.memref_slice %arg7[%dma_wait3A_134, %dma_wait3A_135, %dma_wait3A_136] : memref<7x16x512xf32, #tpu.memory_space<vmem>> -> memref<6x16x512xf32, #tpu.memory_space<vmem>>
    tpu.wait_dma2 semaphore(%arg11 : memref<!tpu.dma_semaphore, #tpu.memory_space<semaphore_mem>>) src(%dma_wait3A_137 : memref<6x16x512xf32, #tpu.memory_space<vmem>>) dst(%dma_wait3A_133 : memref<6x16x512xf32, #tpu.memory_space<hbm>>)
    %dma_start3A_138 = arith.constant 3 : i32
    %dma_start3A_139 = arith.constant 0 : i32
    %dma_start3A_140 = arith.constant 0 : i32
    %dma_start3A_141 = arith.constant 0 : i32
    %dma_start3A_142 = tpu.memref_slice %arg7[%dma_start3A_139, %dma_start3A_140, %dma_start3A_141] : memref<7x16x512xf32, #tpu.memory_space<vmem>> -> memref<6x16x512xf32, #tpu.memory_space<vmem>>
    %dma_start3A_143 = arith.constant 0 : i32
    %dma_start3A_144 = tpu.memref_slice %arg5[%dma_start3A_138, %dma_start3A_143] : memref<8x128xi32, #tpu.memory_space<vmem>> -> memref<1x6xi32, #tpu.memory_space<vmem>>
    %dma_start3A_145 = tpu.memref_squeeze %dma_start3A_144 : memref<1x6xi32, #tpu.memory_space<vmem>> -> memref<6xi32, #tpu.memory_space<vmem>>
    %dma_start3A_146 = arith.constant 0 : i32
    %dma_start3A_147 = arith.constant 0 : i32
    %dma_start3A_148 = arith.constant 0 : i32
    %dma_start3A_149 = tpu.memref_slice %arg2[%dma_start3A_146, %dma_start3A_147, %dma_start3A_148] : memref<2364x16x512xf32, #tpu.memory_space<hbm>> -> memref<2364x16x512xf32, #tpu.memory_space<hbm>>
    tpu.enqueue_indirect_dma source(%dma_start3A_149 : memref<2364x16x512xf32, #tpu.memory_space<hbm>>) target(%dma_start3A_142 : memref<6x16x512xf32, #tpu.memory_space<vmem>>) offsets(%dma_start3A_145 : memref<6xi32, #tpu.memory_space<vmem>>) semaphore(%arg9 : memref<!tpu.dma_semaphore, #tpu.memory_space<semaphore_mem>>)
    %dma_wait3A_150 = arith.constant 2 : i32
    %dma_wait3A_151 = arith.constant 0 : i32
    %dma_wait3A_152 = arith.constant 0 : i32
    %dma_wait3A_153 = arith.constant 0 : i32
    %dma_wait3A_154 = tpu.memref_slice %arg6[%dma_wait3A_151, %dma_wait3A_152, %dma_wait3A_153] : memref<7x16x512xf32, #tpu.memory_space<vmem>> -> memref<6x16x512xf32, #tpu.memory_space<vmem>>
    %dma_wait3A_155 = arith.constant 0 : i32
    %dma_wait3A_156 = tpu.memref_slice %arg5[%dma_wait3A_150, %dma_wait3A_155] : memref<8x128xi32, #tpu.memory_space<vmem>> -> memref<1x6xi32, #tpu.memory_space<vmem>>
    %dma_wait3A_157 = tpu.memref_squeeze %dma_wait3A_156 : memref<1x6xi32, #tpu.memory_space<vmem>> -> memref<6xi32, #tpu.memory_space<vmem>>
    %dma_wait3A_158 = arith.constant 0 : i32
    %dma_wait3A_159 = arith.constant 0 : i32
    %dma_wait3A_160 = arith.constant 0 : i32
    %dma_wait3A_161 = tpu.memref_slice %arg2[%dma_wait3A_158, %dma_wait3A_159, %dma_wait3A_160] : memref<2364x16x512xf32, #tpu.memory_space<hbm>> -> memref<2364x16x512xf32, #tpu.memory_space<hbm>>
    tpu.wait_indirect_dma semaphore(%arg8 : memref<!tpu.dma_semaphore, #tpu.memory_space<semaphore_mem>>) src(%dma_wait3A_161 : memref<2364x16x512xf32, #tpu.memory_space<hbm>>) dst(%dma_wait3A_154 : memref<6x16x512xf32, #tpu.memory_space<vmem>>)
    %add3A_162 = arith.constant 13 : i32
    %add3A_163 = arith.addi %min3A_19, %add3A_162 : i32
    %dma_start3A_164 = arith.constant 0 : i32
    %dma_start3A_165 = arith.constant 0 : i32
    %dma_start3A_166 = arith.constant 0 : i32
    %dma_start3A_167 = tpu.memref_slice %arg6[%dma_start3A_164, %dma_start3A_165, %dma_start3A_166] : memref<7x16x512xf32, #tpu.memory_space<vmem>> -> memref<6x16x512xf32, #tpu.memory_space<vmem>>
    %dma_start3A_168 = arith.constant 0 : i32
    %dma_start3A_169 = arith.constant 0 : i32
    %dma_start3A_170 = tpu.memref_slice %arg4[%add3A_163, %dma_start3A_168, %dma_start3A_169] : memref<780x16x512xf32, #tpu.memory_space<hbm>> -> memref<6x16x512xf32, #tpu.memory_space<hbm>>
    %dma_start3A_171 = arith.constant 0 : i32
    %dma_start3A_172 = arith.constant 0 : i32
    %dma_start3A_173 = tpu.memref_slice %arg4[%add3A_163, %dma_start3A_171, %dma_start3A_172] : memref<780x16x512xf32, #tpu.memory_space<hbm>> -> memref<6x16x512xf32, #tpu.memory_space<hbm>>
    %dma_start3A_174 = arith.constant 0 : i32
    %dma_start3A_175 = arith.constant 0 : i32
    %dma_start3A_176 = arith.constant 0 : i32
    %dma_start3A_177 = tpu.memref_slice %arg6[%dma_start3A_174, %dma_start3A_175, %dma_start3A_176] : memref<7x16x512xf32, #tpu.memory_space<vmem>> -> memref<6x16x512xf32, #tpu.memory_space<vmem>>
    tpu.enqueue_dma source(%dma_start3A_177 : memref<6x16x512xf32, #tpu.memory_space<vmem>>) target(%dma_start3A_173 : memref<6x16x512xf32, #tpu.memory_space<hbm>>) target_semaphore(%arg10 : memref<!tpu.dma_semaphore, #tpu.memory_space<semaphore_mem>>)
    %dma_wait3A_178 = arith.constant 3 : i32
    %dma_wait3A_179 = arith.constant 0 : i32
    %dma_wait3A_180 = arith.constant 0 : i32
    %dma_wait3A_181 = arith.constant 0 : i32
    %dma_wait3A_182 = tpu.memref_slice %arg7[%dma_wait3A_179, %dma_wait3A_180, %dma_wait3A_181] : memref<7x16x512xf32, #tpu.memory_space<vmem>> -> memref<6x16x512xf32, #tpu.memory_space<vmem>>
    %dma_wait3A_183 = arith.constant 0 : i32
    %dma_wait3A_184 = tpu.memref_slice %arg5[%dma_wait3A_178, %dma_wait3A_183] : memref<8x128xi32, #tpu.memory_space<vmem>> -> memref<1x6xi32, #tpu.memory_space<vmem>>
    %dma_wait3A_185 = tpu.memref_squeeze %dma_wait3A_184 : memref<1x6xi32, #tpu.memory_space<vmem>> -> memref<6xi32, #tpu.memory_space<vmem>>
    %dma_wait3A_186 = arith.constant 0 : i32
    %dma_wait3A_187 = arith.constant 0 : i32
    %dma_wait3A_188 = arith.constant 0 : i32
    %dma_wait3A_189 = tpu.memref_slice %arg2[%dma_wait3A_186, %dma_wait3A_187, %dma_wait3A_188] : memref<2364x16x512xf32, #tpu.memory_space<hbm>> -> memref<2364x16x512xf32, #tpu.memory_space<hbm>>
    tpu.wait_indirect_dma semaphore(%arg9 : memref<!tpu.dma_semaphore, #tpu.memory_space<semaphore_mem>>) src(%dma_wait3A_189 : memref<2364x16x512xf32, #tpu.memory_space<hbm>>) dst(%dma_wait3A_182 : memref<6x16x512xf32, #tpu.memory_space<vmem>>)
    %add3A_190 = arith.constant 19 : i32
    %add3A_191 = arith.addi %min3A_19, %add3A_190 : i32
    %dma_start3A_192 = arith.constant 0 : i32
    %dma_start3A_193 = arith.constant 0 : i32
    %dma_start3A_194 = arith.constant 0 : i32
    %dma_start3A_195 = tpu.memref_slice %arg7[%dma_start3A_192, %dma_start3A_193, %dma_start3A_194] : memref<7x16x512xf32, #tpu.memory_space<vmem>> -> memref<6x16x512xf32, #tpu.memory_space<vmem>>
    %dma_start3A_196 = arith.constant 0 : i32
    %dma_start3A_197 = arith.constant 0 : i32
    %dma_start3A_198 = tpu.memref_slice %arg4[%add3A_191, %dma_start3A_196, %dma_start3A_197] : memref<780x16x512xf32, #tpu.memory_space<hbm>> -> memref<6x16x512xf32, #tpu.memory_space<hbm>>
    %dma_start3A_199 = arith.constant 0 : i32
    %dma_start3A_200 = arith.constant 0 : i32
    %dma_start3A_201 = tpu.memref_slice %arg4[%add3A_191, %dma_start3A_199, %dma_start3A_200] : memref<780x16x512xf32, #tpu.memory_space<hbm>> -> memref<6x16x512xf32, #tpu.memory_space<hbm>>
    %dma_start3A_202 = arith.constant 0 : i32
    %dma_start3A_203 = arith.constant 0 : i32
    %dma_start3A_204 = arith.constant 0 : i32
    %dma_start3A_205 = tpu.memref_slice %arg7[%dma_start3A_202, %dma_start3A_203, %dma_start3A_204] : memref<7x16x512xf32, #tpu.memory_space<vmem>> -> memref<6x16x512xf32, #tpu.memory_space<vmem>>
    tpu.enqueue_dma source(%dma_start3A_205 : memref<6x16x512xf32, #tpu.memory_space<vmem>>) target(%dma_start3A_201 : memref<6x16x512xf32, #tpu.memory_space<hbm>>) target_semaphore(%arg11 : memref<!tpu.dma_semaphore, #tpu.memory_space<semaphore_mem>>)
    %dma_wait3A_206 = arith.constant 0 : i32
    %dma_wait3A_207 = arith.constant 0 : i32
    %dma_wait3A_208 = arith.constant 0 : i32
    %dma_wait3A_209 = tpu.memref_slice %arg6[%dma_wait3A_206, %dma_wait3A_207, %dma_wait3A_208] : memref<7x16x512xf32, #tpu.memory_space<vmem>> -> memref<6x16x512xf32, #tpu.memory_space<vmem>>
    %dma_wait3A_210 = arith.constant 0 : i32
    %dma_wait3A_211 = arith.constant 0 : i32
    %dma_wait3A_212 = tpu.memref_slice %arg4[%add3A_163, %dma_wait3A_210, %dma_wait3A_211] : memref<780x16x512xf32, #tpu.memory_space<hbm>> -> memref<6x16x512xf32, #tpu.memory_space<hbm>>
    %dma_wait3A_213 = arith.constant 0 : i32
    %dma_wait3A_214 = arith.constant 0 : i32
    %dma_wait3A_215 = tpu.memref_slice %arg4[%add3A_163, %dma_wait3A_213, %dma_wait3A_214] : memref<780x16x512xf32, #tpu.memory_space<hbm>> -> memref<6x16x512xf32, #tpu.memory_space<hbm>>
    %dma_wait3A_216 = arith.constant 0 : i32
    %dma_wait3A_217 = arith.constant 0 : i32
    %dma_wait3A_218 = arith.constant 0 : i32
    %dma_wait3A_219 = tpu.memref_slice %arg6[%dma_wait3A_216, %dma_wait3A_217, %dma_wait3A_218] : memref<7x16x512xf32, #tpu.memory_space<vmem>> -> memref<6x16x512xf32, #tpu.memory_space<vmem>>
    tpu.wait_dma2 semaphore(%arg10 : memref<!tpu.dma_semaphore, #tpu.memory_space<semaphore_mem>>) src(%dma_wait3A_219 : memref<6x16x512xf32, #tpu.memory_space<vmem>>) dst(%dma_wait3A_215 : memref<6x16x512xf32, #tpu.memory_space<hbm>>)
    %dma_wait3A_220 = arith.constant 0 : i32
    %dma_wait3A_221 = arith.constant 0 : i32
    %dma_wait3A_222 = arith.constant 0 : i32
    %dma_wait3A_223 = tpu.memref_slice %arg7[%dma_wait3A_220, %dma_wait3A_221, %dma_wait3A_222] : memref<7x16x512xf32, #tpu.memory_space<vmem>> -> memref<6x16x512xf32, #tpu.memory_space<vmem>>
    %dma_wait3A_224 = arith.constant 0 : i32
    %dma_wait3A_225 = arith.constant 0 : i32
    %dma_wait3A_226 = tpu.memref_slice %arg4[%add3A_191, %dma_wait3A_224, %dma_wait3A_225] : memref<780x16x512xf32, #tpu.memory_space<hbm>> -> memref<6x16x512xf32, #tpu.memory_space<hbm>>
    %dma_wait3A_227 = arith.constant 0 : i32
    %dma_wait3A_228 = arith.constant 0 : i32
    %dma_wait3A_229 = tpu.memref_slice %arg4[%add3A_191, %dma_wait3A_227, %dma_wait3A_228] : memref<780x16x512xf32, #tpu.memory_space<hbm>> -> memref<6x16x512xf32, #tpu.memory_space<hbm>>
    %dma_wait3A_230 = arith.constant 0 : i32
    %dma_wait3A_231 = arith.constant 0 : i32
    %dma_wait3A_232 = arith.constant 0 : i32
    %dma_wait3A_233 = tpu.memref_slice %arg7[%dma_wait3A_230, %dma_wait3A_231, %dma_wait3A_232] : memref<7x16x512xf32, #tpu.memory_space<vmem>> -> memref<6x16x512xf32, #tpu.memory_space<vmem>>
    tpu.wait_dma2 semaphore(%arg11 : memref<!tpu.dma_semaphore, #tpu.memory_space<semaphore_mem>>) src(%dma_wait3A_233 : memref<6x16x512xf32, #tpu.memory_space<vmem>>) dst(%dma_wait3A_229 : memref<6x16x512xf32, #tpu.memory_space<hbm>>)
    return
  }
}

</mosaic_0001>

<sc_bundles>
// kernel: kernel.3.cloned.1.call-start
scs
__scs_entry_jumppad:
0x0: {  	(pc) =	sbr.rel $0x88, $3  }
0x1: {  	(tag) =	ssettag $0x0;
	lr =	simm.s32 $0x1  }
0x2: {  	[smem:$0x3FA0] =	sst lr;
	_ =	strace $0xD0000000  }
0x3: {  	_ = 	snop  }
0x4: {  	_ = 	snop  }
0x5: {  	_ = 	snop  }
0x6: {  	_ = 	snop  }
0x7: {  	_ = 	snop  }
__scs_overlays_trampoline_lowered:
0x8: {  	[smem:$0x3FAF] =	sst s0  }
0x9: {  	[smem:$0x3FB0] =	sst s1  }
0xa: {  	[smem:$0x3FB1] =	sst s2  }
0xb: {  	[smem:$0x3FB2] =	sst s3  }
0xc: {  	[smem:$0x3FB3] =	sst s4  }
0xd: {  	[smem:$0x3FB4] =	sst s5  }
0xe: {  	[smem:$0x3FB5] =	sst s6  }
0xf: {  	[smem:$0x3FB6] =	sst s7  }
0x10: {  	[smem:$0x3FB7] =	sst s8  }
0x11: {  	[smem:$0x3FB8] =	sst s9;
	s0 =	simm.s32 @!p0 $0x0  }
0x12: {  	s1 =	sld [smem:$0x3F9E];
	s0 =	simm.s32 @p0 $0x1  }
0x13: {  	[smem:$0x3FB9] =	sst s0;
	s0 =	simm.s32 @!p1 $0x0  }
0x14: {  	s2 =	sld [smem:$0x3F9D];
	s0 =	simm.s32 @p1 $0x1  }
0x15: {  	[smem:$0x3FBA] =	sst s0;
	s0 =	simm.s32 @!p2 $0x0  }
0x16: {  	s3 =	sld [smem:$0x3FDB];
	s0 =	simm.s32 @p2 $0x1  }
0x17: {  	s4 =	simm.s32 $0x1BF5;
	[smem:$0x3FBC] =	sst s0  }
0x18: {  	s0 =	sld [smem:$0x3F9F];
	_ =	swait.ge [sflag:s4], $0x0  }
0x19: {  	s7 =	sld [smem:$0x3FA0]  }
0x1a: {  	s8 =	sadd.s32 $0xFFFFE003, lr  }
0x1b: {  	s9 =	sadd.s32 $0xFFFFFEF7, lr;
	s5 =	simm.s32 $0xFFFFFFFF;
	p2 =	slt.u32 s8, $0xFFFFF086  }
0x1c: {  	p1 =	slt.u32 s9, $0xF7A;
	s5 =	simm.s32 @!p2 $0x0  }
0x1d: {  	s5 =	simm.s32 @p1 $0x1;
	p0 =	seq.s32 s7, s2  }
0x1e: {  	s7 =	smul.u32 @!p0 $0xF7A, s2;
	p2 =	seq.s32 @!p0 s5, $0x0  }
0x1f: {  	s9 =	smul.u32 $0xF7A, s1;
	s8 =	simm.s32 @!p0 $0x1BF5;
	p2 =	por !p2, p0  }
0x20: {  	[sflag:s8] =	ssyncset.s32 @!p0 $0xFFFFF086;
	s6 =	sadd.s32 @!p0 s3, s7;
	s7 =	simm.s32 @!p0 $0x108  }
0x21: {  	s3 =	sadd.s32 s3, s9;
	s6 =	sadd.s32 @!p0 $0x88, s6;
	s7 =	simm.s32 @p2 $0x1082  }
0x22: {  	[simem:s7], [sflag:s8] =	dma.local @!p0 [hbm:s6], $0xF7A  }
0x23: {  	s9 =	sor.u32 $0xD0000000, s2;
	s6 =	simm.s32 $0x108;
	_ =	swait.ge @!p0 [sflag:s8], $0x0  }
0x24: {  	s3 =	sadd.s32 $0x88, s3;
	s6 =	simm.s32 @!p1 $0x1082;
	[sflag:s4] =	ssyncset.s32 $0xFFFFF086  }
0x25: {  	[simem:s6], [sflag:s4] =	dma.local [hbm:s3], $0xF7A  }
0x26: {  	[smem:$0x3FA0] =	sst s1;
	(tag) =	ssettag s2;
	_ =	strace s9  }
0x27: {  	s1 =	sld [smem:$0x3FB0]  }
0x28: {  	s2 =	sld [smem:$0x3FB1]  }
0x29: {  	s4 =	sld [smem:$0x3FB3]  }
0x2a: {  	p0 =	seq.s32 s5, $0x0;
	s5 =	sld [smem:$0x3FB4]  }
0x2b: {  	s6 =	sld [smem:$0x3FB5]  }
0x2c: {  	s7 =	sld [smem:$0x3FB6]  }
0x2d: {  	s3 =	simm.s32 $0x108;
	s8 =	sld [smem:$0x3FB7]  }
0x2e: {  	s3 =	simm.s32 @!p0 $0x1082;
	s9 =	sld [smem:$0x3FB8]  }
0x2f: {  	lr =	sadd.s32 s0, s3;
	s0 =	sld [smem:$0x3FAF]  }
0x30: {  	s3 =	sld [smem:$0x3FB2]  }
0x31: {  	[smem:$0x3FBB] =	sst s10  }
0x32: {  	s10 =	sld [smem:$0x3FB9];
	_ =	sdelay $0x3  }
0x33: {  	p0 =	seq.s32 s10, $0x1;
	s10 =	sld [smem:$0x3FBB];
	_ =	sdelay $0x3  }
0x34: {  	[smem:$0x3FBB] =	sst s10  }
0x35: {  	s10 =	sld [smem:$0x3FBA];
	_ =	sdelay $0x3  }
0x36: {  	p1 =	seq.s32 s10, $0x1;
	s10 =	sld [smem:$0x3FBB];
	_ =	sdelay $0x3  }
0x37: {  	[smem:$0x3FBB] =	sst s10  }
0x38: {  	s10 =	sld [smem:$0x3FBC]  }
0x39: {  	_ = 	snop;
	(pc) =	sbr.ind lr, $3  }
0x3a: {  	_ = 	snop  }
0x3b: {  	_ = 	snop  }
0x3c: {  	p2 =	seq.s32 s10, $0x1;
	s10 =	sld [smem:$0x3FBB]  }
0x3d: {  	_ =	shalt  }
0x3e: {  	_ =	shalt  }
0x3f: {  	_ =	shalt  }
0x40: {  	_ =	shalt  }
0x41: {  	_ =	shalt  }
0x42: {  	_ =	shalt  }
0x43: {  	_ =	shalt  }
0x44: {  	_ =	shalt  }
0x45: {  	_ =	shalt  }
0x46: {  	_ =	shalt  }
0x47: {  	_ =	shalt  }
0x48: {  	_ =	shalt  }
0x49: {  	_ =	shalt  }
0x4a: {  	_ =	shalt  }
0x4b: {  	_ =	shalt  }
0x4c: {  	_ =	shalt  }
0x4d: {  	_ =	shalt  }
0x4e: {  	_ =	shalt  }
0x4f: {  	_ =	shalt  }
0x50: {  	_ =	shalt  }
0x51: {  	_ =	shalt  }
0x52: {  	_ =	shalt  }
0x53: {  	_ =	shalt  }
0x54: {  	_ =	shalt  }
0x55: {  	_ =	shalt  }
0x56: {  	_ =	shalt  }
0x57: {  	_ =	shalt  }
0x58: {  	_ =	shalt  }
0x59: {  	_ =	shalt  }
0x5a: {  	_ =	shalt  }
0x5b: {  	_ =	shalt  }
0x5c: {  	_ =	shalt  }
0x5d: {  	_ =	shalt  }
0x5e: {  	_ =	shalt  }
0x5f: {  	_ =	shalt  }
0x60: {  	_ =	shalt  }
0x61: {  	_ =	shalt  }
0x62: {  	_ =	shalt  }
0x63: {  	_ =	shalt  }
0x64: {  	_ =	shalt  }
0x65: {  	_ =	shalt  }
0x66: {  	_ =	shalt  }
0x67: {  	_ =	shalt  }
0x68: {  	_ =	shalt  }
0x69: {  	_ =	shalt  }
0x6a: {  	_ =	shalt  }
0x6b: {  	_ =	shalt  }
0x6c: {  	_ =	shalt  }
0x6d: {  	_ =	shalt  }
0x6e: {  	_ =	shalt  }
0x6f: {  	_ =	shalt  }
0x70: {  	_ =	shalt  }
0x71: {  	_ =	shalt  }
0x72: {  	_ =	shalt  }
0x73: {  	_ =	shalt  }
0x74: {  	_ =	shalt  }
0x75: {  	_ =	shalt  }
0x76: {  	_ =	shalt  }
0x77: {  	_ =	shalt  }
0x78: {  	_ =	shalt  }
0x79: {  	_ =	shalt  }
0x7a: {  	_ =	shalt  }
0x7b: {  	_ =	shalt  }
0x7c: {  	_ =	shalt  }
0x7d: {  	_ =	shalt  }
0x7e: {  	_ =	shalt  }
0x7f: {  	_ =	shalt  }
0x80: {  	_ =	shalt  }
0x81: {  	_ =	shalt  }
0x82: {  	_ =	shalt  }
0x83: {  	_ =	shalt  }
0x84: {  	_ =	shalt  }
0x85: {  	_ =	shalt  }
0x86: {  	_ =	shalt  }
0x87: {  	_ =	shalt  }
.Lfunc_end0:
.L_simem_size_0:
called_computation_lowered:
.L_overlay_start_0:
0x88: {  	s2 =	sld [smem:$0x3FD9]  }
0x89: {  	s3 =	sld [smem:$0x3FFE];
	_ =	sdelay $0x1  }
0x8a: {  	s1 =	srdreg.scid  }
0x8b: {  	s0 =	sand.u32 $0x1, s1  }
0x8c: {  	s17 =	sshll.u32 s0, $0xA;
	s2 =	sadd.s32 s3, s2  }
0x8d: {  	s2 =	sadd.s32 s2, s17  }
0x8e: {  	[smem:$0x3FC7] =	sst s2  }
0x8f: {  	_ = 	snop  }
0x90: {  	s2 =	sld [smem:$0x3FC9]  }
0x91: {  	s18 =	sld [smem:$0x3FD0];
	(tm) =	ssettm $0x1  }
0x92: {  	s4 =	sld [smem:$0x3FFB];
	_ =	sdelay $0x3  }
0x93: {  	_ =	strace s4  }
0x94: {  	s4 =	sld [smem:$0x3FFC];
	_ =	sdelay $0x3  }
0x95: {  	_ =	strace s4  }
0x96: {  	s4 =	sld [smem:$0x3FFD];
	_ =	sdelay $0x3  }
0x97: {  	_ =	strace s4  }
0x98: {  	_ =	strace $0x8FFFFFFF  }
0x99: {  	s19 =	sld [smem:$0x3FDB];
	_ =	sdelay $0x1  }
0x9a: {  	s5 =	simm.s32 $_scs_section_size  }
0x9b: {  	s6 =	simm.s32 $_size__tile_overlayer_lowered;
	s7 =	simm.s32 $_tile_overlayer_lowered  }
0x9c: {  	s22 =	simm.s32 $0x1BFF;
	s21 =	sshll.u32 s7, $0x1;
	s4 =	sadd.s32 s5, s19  }
0x9d: {  	s8 =	simm.s32 $0x0;
	s20 =	sshll.u32 s6, $0x1;
	s6 =	sadd.s32 s21, s4  }
0x9e: {  	[timem:s8], [sflag:s22] =	dma.local [hbm:s6], s20  }
0x9f: {  	_ =	swait.ge [sflag:s22], s20  }
0xa0: {  	s5 =	ssub.s32 $0x0, s20;
	[sflag:s22] =	ssyncset.done $0x0  }
0xa1: {  	[sflag:s22] =	ssyncadd.s32 s5;
	_ =	sdelay $0x1  }
0xa2: {  	s23 =	simm.s32 $0x1B8B  }
0xa3: {  	_ =	swait.ge [sflag:s23], $0x1  }
0xa4: {  	[sflag:s23] =	ssyncset.done $0x0  }
0xa5: {  	s25 =	simm.s32 $0x1B8E;
	s24 =	sld [smem:$0x3FFE];
	[sflag:s23] =	ssyncadd.s32 $0xFFFFFFFF  }
0xa6: {  	s26 =	simm.s32 $execute0_lowered;
	[smem:$0x3FD2] =	sst s25  }
0xa7: {  	s6 =	sshll.u32 s26, $0x1;
	_ =	strace $0x80000046;
	[dreg:$0x1] =	wrdreg $0xFFFFFFFF  }
0xa8: {  	s28 =	simm.s32 $_size_execute0_lowered;
	s4 =	sadd.s32 s4, s6;
	[dreg:$0x0] =	wrdreg $0x0  }
0xa9: {  	s6 =	sshll.u32 s28, $0x1;
	[dreg:$0x2] =	wrdreg s4  }
0xaa: {  	[dreg:$0x3] =	wrdreg s6  }
0xab: {  	[dreg:$0x4] =	wrdreg $0xC0  }
0xac: {  	_ =	task [dreg:s8], $0x5FFFF  }
0xad: {  	[dreg:$0x1] =	wrdreg $0xFFFFFFFF  }
0xae: {  	[dreg:$0x0] =	wrdreg $0x60  }
0xaf: {  	[dreg:$0x2] =	wrdreg s2  }
0xb0: {  	[dreg:$0x3] =	wrdreg s24  }
0xb1: {  	[dreg:$0x4] =	wrdreg s18  }
0xb2: {  	[dreg:$0x5] =	wrdreg $0x9  }
0xb3: {  	_ =	task.clear_ibuf [dreg:s8], $0x6FFFF;
	_ =	strace $0x90000046  }
0xb4: {  	s29 =	simm.s32 $0x9;
	_ =	strace $0x80000048  }
0xb5: {  	_ =	swait.ge [sflag:s29], $0x1  }
0xb6: {  	[sflag:s29] =	ssyncadd.s32 $0xFFFFFFFF  }
0xb7: {  	_ =	strace $0x90000048  }
0xb8: {  	_ =	sfence  }
0xb9: {  	s30 =	sld [smem:$0x0];
	_ =	sdelay $0x2  }
0xba: {  	s31 =	sshll.u32 s1, $0xD;
	s1 =	sshrl.u32 s1, $0x2  }
0xbb: {  	s3 =	sand.u32 $0x4000, s31;
	s1 =	sadd.s32 s1, s30  }
0xbc: {  	s0 =	sor.u32 s3, s0;
	s1 =	sshll.u32 s1, $0x11  }
0xbd: {  	s0 =	sor.u32 s1, s0  }
0xbe: {  	s0 =	sadd.s32 $0x8F2B, s0  }
0xbf: {  	[sflag:s0] =	ssyncadd.remote.s32 $0x1  }
0xc0: {  	_ =	sfence.sel $0xFFFF  }
0xc1: {  	[dreg:$0x0] =	wrdreg $0xFFFFFFFF;
	(pc) =	sbr.abs _section_cstart, $3  }
0xc2: {  	[dreg:$0x1] =	wrdreg $0xFFFFFFFF  }
0xc3: {  	_ =	task.clear_ibuf [dreg:s8], $0x2FFFF;
	_ =	strace $0x9FFFFFFF  }
0xc4: {  	(tm) =	ssettm $0x7FFFFFFF  }
0xc5: {  	_ =	shalt  }
tec
execute0_lowered:
.L_overlay_start_1:
0x0: {  	(tag) =	ssettag $0x1  }
0x1: {  	s1 =	rddreg [dreg:$0x0]  }
0x2: {  	s4 =	rddreg [dreg:$0x1];
	s2 =	srdreg.scid  }
0x3: {  	s0 =	stileid.u32;
	s5 =	rddreg [dreg:$0x2]  }
0x4: {  	s3 =	simm.s32 $0x0;
	s10 =	simm.s32 $0x5;
	s11 =	simm.s32 $0x400  }
0x5: {  	s12 =	simm.s32 $0xE400;
	s13 =	simm.s32 $0x1;
	s14 =	simm.s32 $0x3  }
0x6: {  	s15 =	simm.s32 $0x2;
	s6 =	sand.u32 $0x1, s2;
	s7 =	sshll.u32 s0, $0x1  }
0x7: {  	s16 =	simm.s32 $0x4;
	s2 =	rddreg [dreg:$0x3];
	s7 =	sor.u32 s6, s7  }
0x8: {  	[smem:$0x7FF] =	sst s3;
	s6 =	ssub.s32 $0x2, s6;
	s8 =	smul.u32 $0x6180, s7  }
0x9: {  	_ =	strace $0x80000047;
	s7 =	sshll.u32 s7, $0x7;
	s9 =	sshrl.u32 s6, $0x1  }
0xa: {  	s7 =	sadd.s32 s7, s4;
	s9 =	ssub.s32 s6, s9;
	s8 =	sand.u32 $0xFFC00, s8  }
0xb: {  	s9 =	smax.u32 s9, $0x1;
	s4 =	sadd.s32 s5, s8;
	s5 =	sadd.s32 $0x400, s7  }
0xc: {  	vm0 =	vmmov $0x7f;
	v0 =	vlaneseq.u32;
	vm1 =	vmmov $0x3f;
	s6 =	sadd.s32 $0x1C00, s4;
	s7 =	sadd.s32 $0x3400, s4;
	s8 =	sadd.s32 $0x4C00, s4  }
.LBB2_1:
0xd: {  	[tilespmem:s3], [sflag:$0x5] =	stream.linear.gather [hbm4b:s5+s3], $0x400, $0x38;
	[tilespmem:$0x1C400] =	vst v63  }
0xe: {  	_ =	swait.ge [sflag:s10], $0x400  }
0xf: {  	[sflag:s10] =	ssyncset.done $0x0  }
0x10: {  	[sflag:s10] =	ssyncadd.s32 $0xFFFFFC00  }
0x11: {  	v1 =	vld.msk [tilespmem:$0x0], $0x7f;
	_ =	sdelay $0x4  }
0x12: {  	v1 =	vshll.u32 v1, $0xD  }
0x13: {  	v1 =	vperm.xlane v1, v0;
	_ =	sdelay $0x5  }
0x14: {  	[tilespmem:s11], [sflag:$0x1] =	stream.indirect_vreg.gather [hbm4b:s1+s3], $0x2000, v1, vm0, $0x38;
	[tilespmem:$0x1C400] =	vst v63  }
0x15: {  	v1 =	vld.msk [tilespmem:$0x80], $0x3f;
	_ =	sdelay $0x4  }
0x16: {  	v1 =	vshll.u32 v1, $0xD  }
0x17: {  	v1 =	vperm.xlane v1, v0;
	_ =	sdelay $0x5  }
0x18: {  	[tilespmem:s12], [sflag:$0x2] =	stream.indirect_vreg.gather [hbm4b:s1+s3], $0x2000, v1, vm1, $0x38;
	[tilespmem:$0x1C400] =	vst v63  }
0x19: {  	_ =	swait.ge [sflag:s13], $0xE000  }
0x1a: {  	[sflag:s13] =	ssyncset.done $0x0  }
0x1b: {  	[sflag:s13] =	ssyncadd.s32 $0xFFFF2000  }
0x1c: {  	[hbm4b:s4+s3] =	stream.linear.scatter [tilespmem:s11], [sflag:$0x3], $0xE000, $0x38;
	[tilespmem:$0x1C400] =	vst v63  }
0x1d: {  	_ =	swait.ge [sflag:s14], $0xE000  }
0x1e: {  	[sflag:s14] =	ssyncset.done $0x0  }
0x1f: {  	[sflag:s14] =	ssyncadd.s32 $0xFFFF2000  }
0x20: {  	v1 =	vld.msk [tilespmem:$0x100], $0x3f;
	_ =	sdelay $0x4  }
0x21: {  	v1 =	vshll.u32 v1, $0xD  }
0x22: {  	v1 =	vperm.xlane v1, v0;
	_ =	sdelay $0x5  }
0x23: {  	[tilespmem:s11], [sflag:$0x1] =	stream.indirect_vreg.gather [hbm4b:s1+s3], $0x2000, v1, vm1, $0x38;
	[tilespmem:$0x1C400] =	vst v63  }
0x24: {  	_ =	swait.ge [sflag:s15], $0xC000  }
0x25: {  	[sflag:s15] =	ssyncset.done $0x0  }
0x26: {  	[sflag:s15] =	ssyncadd.s32 $0xFFFF4000  }
0x27: {  	[hbm4b:s6+s3] =	stream.linear.scatter [tilespmem:s12], [sflag:$0x4], $0xC000, $0x38;
	[tilespmem:$0x1C400] =	vst v63  }
0x28: {  	_ =	swait.ge [sflag:s16], $0xC000  }
0x29: {  	[sflag:s16] =	ssyncset.done $0x0  }
0x2a: {  	[sflag:s16] =	ssyncadd.s32 $0xFFFF4000  }
0x2b: {  	v1 =	vld.msk [tilespmem:$0x180], $0x3f;
	_ =	sdelay $0x4  }
0x2c: {  	v1 =	vshll.u32 v1, $0xD  }
0x2d: {  	v1 =	vperm.xlane v1, v0;
	_ =	sdelay $0x5  }
0x2e: {  	[tilespmem:s12], [sflag:$0x2] =	stream.indirect_vreg.gather [hbm4b:s1+s3], $0x2000, v1, vm1, $0x38;
	[tilespmem:$0x1C400] =	vst v63  }
0x2f: {  	_ =	swait.ge [sflag:s13], $0xC000  }
0x30: {  	[sflag:s13] =	ssyncset.done $0x0  }
0x31: {  	[sflag:s13] =	ssyncadd.s32 $0xFFFF4000  }
0x32: {  	[hbm4b:s7+s3] =	stream.linear.scatter [tilespmem:s11], [sflag:$0x3], $0xC000, $0x38;
	[tilespmem:$0x1C400] =	vst v63  }
0x33: {  	_ =	swait.ge [sflag:s15], $0xC000  }
0x34: {  	[sflag:s15] =	ssyncset.done $0x0  }
0x35: {  	[sflag:s15] =	ssyncadd.s32 $0xFFFF4000  }
0x36: {  	[hbm4b:s8+s3] =	stream.linear.scatter [tilespmem:s12], [sflag:$0x4], $0xC000, $0x38;
	[tilespmem:$0x1C400] =	vst v63  }
0x37: {  	p0 =	sne.s32 s9, $0x1;
	_ =	swait.ge [sflag:s14], $0xC000  }
.Ltmp0:
0x38: {  	[sflag:s14] =	ssyncset.done $0x0;
	(pc) =	sbr.rel @p0 .LBB2_1-.Ltmp0, $4  }
0x39: {  	[sflag:s14] =	ssyncadd.s32 $0xFFFF4000  }
0x3a: {  	_ =	swait.ge [sflag:s16], $0xC000  }
0x3b: {  	[sflag:s16] =	ssyncset.done $0x0  }
0x3c: {  	s9 =	sadd.s32 $0xFFFFFFFF, s9;
	[sflag:s16] =	ssyncadd.s32 $0xFFFF4000  }
0x3d: {  	_ =	sfence.sel $0x180000  }
0x3e: {  	[bflag:$0x0] =	sbarrier.arrive $0xFFFF  }
0x3f: {  	p0 =	sne.s32 s0, $0x0;
	_ =	strace $0x90000047  }
0x40: {  	s0 =	sadd.s32 @!p0 $0x100000, s2;
	[bflag:$0x2] =	sbarrier.arrive $0xFFFF  }
0x41: {  	[sflag:s0] =	ssyncadd.tile.s32 @!p0 $0x1;
	_ =	shalt  }
.Lfunc_end2:
_tile_overlayer_lowered:
.L_overlay_start_2:
0x42: {  	(tag) =	ssettag $0x2  }
0x43: {  	s0 =	rddreg [dreg:$0x0];
	s2 =	stileid.u32  }
0x44: {  	s1 =	rddreg [dreg:$0x1];
	p0 =	sne.s32 s2, $0x0  }
0x45: {  	s3 =	rddreg [dreg:$0x2];
	[bflag:$0x3] =	sbarrier.arrive $0xFFFF;
	s2 =	simm.s32 @!p0 $0x1C05  }
0x46: {  	[timem:s3], [sflag:s2] =	dma.local @!p0 [hbm:s0], s1  }
0x47: {  	s0 =	simm.s32 @!p0 $0x5  }
0x48: {  	_ =	swait.ge @!p0 [sflag:s0], s1  }
0x49: {  	s1 =	ssub.s32 @!p0 $0x0, s1;
	[sflag:s0] =	ssyncset.done @!p0 $0x0  }
0x4a: {  	[sflag:s0] =	ssyncadd.s32 @!p0 s1  }
0x4b: {  	[bflag:$0x3] =	sbarrier.arrive $0xFFFF  }
0x4c: {  	_ =	shalt  }

</sc_bundles>
